<compile_context>
chip_gen: v7x
topology: tpu7x:2x2x1
jax: 0.10.2.dev20260603
libtpu: 0.0.44.dev20260713+nightly
codegen_flags: <defaults>
</compile_context>

<pallas_src>
import functools

import jax
import jax.numpy as jnp
from jax import lax
from jax.experimental import pallas as pl
from jax.experimental.pallas import tpu as pltpu
from jax.experimental.pallas import tpu_sc as plsc

B = 128
D = 128
NW = 16
CHUNK = B // NW


@functools.cache
def _build_sc_gather():
    mesh = plsc.VectorSubcoreMesh(
        core_axis_name="c", subcore_axis_name="s", num_cores=1)

    @functools.partial(
        pl.kernel,
        mesh=mesh,
        out_type=jax.ShapeDtypeStruct((3 * B, D), jnp.float32),
        scratch_types=[
            pltpu.VMEM((CHUNK,), jnp.int32),
            pltpu.VMEM((CHUNK,), jnp.int32),
            pltpu.VMEM((CHUNK,), jnp.int32),
            pltpu.VMEM((CHUNK, D), jnp.float32),
            pltpu.VMEM((CHUNK, D), jnp.float32),
            pltpu.VMEM((CHUNK, D), jnp.float32),
            pltpu.SemaphoreType.DMA,
            pltpu.SemaphoreType.DMA,
            pltpu.SemaphoreType.DMA,
            pltpu.SemaphoreType.DMA,
            pltpu.SemaphoreType.DMA,
            pltpu.SemaphoreType.DMA,
        ],
    )
    def _sc_gather(words, pos, neg, emb, oemb, out,
                   iw_v, ip_v, in_v, rw_v, rp_v, rn_v,
                   siw, sip, sin, sw, sp, sn):
        wid = lax.axis_index("s")
        base = wid * CHUNK
        ciw = pltpu.make_async_copy(words.at[pl.ds(base, CHUNK)], iw_v, siw)
        cip = pltpu.make_async_copy(pos.at[pl.ds(base, CHUNK)], ip_v, sip)
        cin = pltpu.make_async_copy(neg.at[pl.ds(base, CHUNK)], in_v, sin)
        ciw.start()
        cip.start()
        cin.start()
        cw = pltpu.make_async_copy(emb.at[iw_v], rw_v, sw)
        cp = pltpu.make_async_copy(oemb.at[ip_v], rp_v, sp)
        cn = pltpu.make_async_copy(oemb.at[in_v], rn_v, sn)
        ciw.wait()
        cw.start()
        cip.wait()
        cp.start()
        cin.wait()
        cn.start()
        cww = pltpu.make_async_copy(rw_v, out.at[pl.ds(base, CHUNK)], siw)
        cpw = pltpu.make_async_copy(rp_v, out.at[pl.ds(B + base, CHUNK)], sip)
        cnw = pltpu.make_async_copy(rn_v, out.at[pl.ds(2 * B + base, CHUNK)],
                                    sin)
        cw.wait()
        cww.start()
        cp.wait()
        cpw.start()
        cn.wait()
        cnw.start()
        cww.wait()
        cpw.wait()
        cnw.wait()

    return _sc_gather


def _tc_loss_body(g_ref, out_ref):
    t = g_ref[0:B, :]
    p = g_ref[B:2 * B, :]
    n = g_ref[2 * B:3 * B, :]
    tt = t.T
    s_pos = jnp.sum(tt * p)
    s_neg = jnp.sum(tt * n)
    r = lax.broadcasted_iota(jnp.int32, (8, 128), 0)
    c = lax.broadcasted_iota(jnp.int32, (8, 128), 1)
    ma = ((r == 0) & (c == 0)).astype(jnp.float32)
    mb = ((r == 0) & (c == 1)).astype(jnp.float32)
    v = s_pos * ma - s_neg * mb
    ls = jnp.minimum(v, 0.0) - jnp.log1p(jnp.exp(-jnp.abs(v)))
    out_ref[...] = -jnp.sum(ls * (ma + mb))


def kernel(words, pos_contexts, neg_contexts, emb, out_emb):
    g = _build_sc_gather()(words, pos_contexts, neg_contexts, emb, out_emb)
    loss = pl.pallas_call(
        _tc_loss_body,
        out_shape=jax.ShapeDtypeStruct((), jnp.float32),
        out_specs=pl.BlockSpec(memory_space=pltpu.SMEM),
    )(g)
    return loss

# --- scband reference (transcript-rebuilt; emitter-appended) ---
"""Pipeline reference for scband-skipgram-ns-3332894622671 (READ-ONLY COPY).

The authoritative reference and input builder live on the scoring server;
editing this copy changes nothing except your own understanding.
"""

import jax, jax.numpy as jnp
import numpy as np

V = 1000000
D = 128
B = 128

def setup_inputs(seed: int = 0) -> dict:
    key = jax.random.key(seed)
    k1, k2, k3, k4, k5 = jax.random.split(key, 5)
    words = jax.random.randint(k1, (B,), 0, V)
    pos_contexts = jax.random.randint(k2, (B,), 0, V)
    neg_contexts = jax.random.randint(k3, (B,), 0, V)
    emb = jax.random.normal(k4, (V, D), dtype=jnp.float32)
    out_emb = jax.random.normal(k5, (V, D), dtype=jnp.float32)
    return {"words": words, "pos_contexts": pos_contexts, "neg_contexts": neg_contexts, "emb": emb, "out_emb": out_emb}

def reference(words, pos_contexts, neg_contexts, emb, out_emb):
    target_emb = jnp.take(emb, words, axis=0)
    pos_emb = jnp.take(out_emb, pos_contexts, axis=0)
    neg_emb = jnp.take(out_emb, neg_contexts, axis=0)
    pos_similarity = jnp.sum(jnp.sum(target_emb * pos_emb.T, axis=-1), axis=0)
    batch_pos_loss = jax.nn.log_sigmoid(pos_similarity)
    neg_similarity = jnp.sum(jnp.sum(target_emb * neg_emb.T, axis=-1), axis=0)
    batch_neg_loss = jax.nn.log_sigmoid(-neg_similarity)
    return -jnp.mean(batch_pos_loss + batch_neg_loss)

if __name__ == "__main__":
    import jax
    _d = setup_inputs()
    print(jax.jit(kernel)(*tuple(_d.values())))

</pallas_src>

<mosaic_0001>
#map = affine_map<(d0, d1) -> (0)>
#map1 = affine_map<(d0, d1) -> (0, 0)>
module attributes {stable_mosaic.version = 14 : i64} {
  func.func @_sc_gather(%arg0: i32, %arg1: i32, %arg2: memref<128xi32, #tpu.memory_space<hbm>>, %arg3: memref<128xi32, #tpu.memory_space<hbm>>, %arg4: memref<128xi32, #tpu.memory_space<hbm>>, %arg5: memref<1000000x128xf32, #tpu.memory_space<hbm>>, %arg6: memref<1000000x128xf32, #tpu.memory_space<hbm>>, %arg7: memref<384x128xf32, #tpu.memory_space<hbm>>, %arg8: memref<8xi32, #tpu.memory_space<vmem>>, %arg9: memref<8xi32, #tpu.memory_space<vmem>>, %arg10: memref<8xi32, #tpu.memory_space<vmem>>, %arg11: memref<8x128xf32, #tpu.memory_space<vmem>>, %arg12: memref<8x128xf32, #tpu.memory_space<vmem>>, %arg13: memref<8x128xf32, #tpu.memory_space<vmem>>, %arg14: memref<!tpu.dma_semaphore, #tpu.memory_space<semaphore_mem>>, %arg15: memref<!tpu.dma_semaphore, #tpu.memory_space<semaphore_mem>>, %arg16: memref<!tpu.dma_semaphore, #tpu.memory_space<semaphore_mem>>, %arg17: memref<!tpu.dma_semaphore, #tpu.memory_space<semaphore_mem>>, %arg18: memref<!tpu.dma_semaphore, #tpu.memory_space<semaphore_mem>>, %arg19: memref<!tpu.dma_semaphore, #tpu.memory_space<semaphore_mem>>) attributes {dimension_semantics = [#tpu.dimension_semantics<core_parallel>, #tpu.dimension_semantics<subcore_parallel>], iteration_bounds = array<i64: 1, 16>, scalar_prefetch = 0 : i64, scratch_operands = 12 : i64, tpu.core_type = #tpu.core_type<sc_vector_subcore>, window_params = [{transform_indices = #map}, {transform_indices = #map}, {transform_indices = #map}, {transform_indices = #map1}, {transform_indices = #map1}, {transform_indices = #map1}]} {
    %mul3A = arith.constant 8 : i32
    %mul3A_0 = arith.muli %arg1, %mul3A : i32
    %dma_start3A = tpu.memref_slice %arg2[%mul3A_0] : memref<128xi32, #tpu.memory_space<hbm>> -> memref<8xi32, #tpu.memory_space<hbm>>
    %dma_start3A_1 = tpu.memref_slice %arg2[%mul3A_0] : memref<128xi32, #tpu.memory_space<hbm>> -> memref<8xi32, #tpu.memory_space<hbm>>
    tpu.enqueue_dma source(%dma_start3A_1 : memref<8xi32, #tpu.memory_space<hbm>>) target(%arg8 : memref<8xi32, #tpu.memory_space<vmem>>) target_semaphore(%arg14 : memref<!tpu.dma_semaphore, #tpu.memory_space<semaphore_mem>>)
    %dma_start3A_2 = tpu.memref_slice %arg3[%mul3A_0] : memref<128xi32, #tpu.memory_space<hbm>> -> memref<8xi32, #tpu.memory_space<hbm>>
    %dma_start3A_3 = tpu.memref_slice %arg3[%mul3A_0] : memref<128xi32, #tpu.memory_space<hbm>> -> memref<8xi32, #tpu.memory_space<hbm>>
    tpu.enqueue_dma source(%dma_start3A_3 : memref<8xi32, #tpu.memory_space<hbm>>) target(%arg9 : memref<8xi32, #tpu.memory_space<vmem>>) target_semaphore(%arg15 : memref<!tpu.dma_semaphore, #tpu.memory_space<semaphore_mem>>)
    %dma_start3A_4 = tpu.memref_slice %arg4[%mul3A_0] : memref<128xi32, #tpu.memory_space<hbm>> -> memref<8xi32, #tpu.memory_space<hbm>>
    %dma_start3A_5 = tpu.memref_slice %arg4[%mul3A_0] : memref<128xi32, #tpu.memory_space<hbm>> -> memref<8xi32, #tpu.memory_space<hbm>>
    tpu.enqueue_dma source(%dma_start3A_5 : memref<8xi32, #tpu.memory_space<hbm>>) target(%arg10 : memref<8xi32, #tpu.memory_space<vmem>>) target_semaphore(%arg16 : memref<!tpu.dma_semaphore, #tpu.memory_space<semaphore_mem>>)
    %dma_wait3A = tpu.memref_slice %arg2[%mul3A_0] : memref<128xi32, #tpu.memory_space<hbm>> -> memref<8xi32, #tpu.memory_space<hbm>>
    %dma_wait3A_6 = tpu.memref_slice %arg2[%mul3A_0] : memref<128xi32, #tpu.memory_space<hbm>> -> memref<8xi32, #tpu.memory_space<hbm>>
    tpu.wait_dma2 semaphore(%arg14 : memref<!tpu.dma_semaphore, #tpu.memory_space<semaphore_mem>>) src(%dma_wait3A_6 : memref<8xi32, #tpu.memory_space<hbm>>) dst(%arg8 : memref<8xi32, #tpu.memory_space<vmem>>)
    %dma_start3A_7 = arith.constant 0 : i32
    %dma_start3A_8 = arith.constant 0 : i32
    %dma_start3A_9 = tpu.memref_slice %arg5[%dma_start3A_7, %dma_start3A_8] : memref<1000000x128xf32, #tpu.memory_space<hbm>> -> memref<1000000x128xf32, #tpu.memory_space<hbm>>
    tpu.enqueue_indirect_dma source(%dma_start3A_9 : memref<1000000x128xf32, #tpu.memory_space<hbm>>) target(%arg11 : memref<8x128xf32, #tpu.memory_space<vmem>>) offsets(%arg8 : memref<8xi32, #tpu.memory_space<vmem>>) semaphore(%arg17 : memref<!tpu.dma_semaphore, #tpu.memory_space<semaphore_mem>>)
    %dma_wait3A_10 = tpu.memref_slice %arg3[%mul3A_0] : memref<128xi32, #tpu.memory_space<hbm>> -> memref<8xi32, #tpu.memory_space<hbm>>
    %dma_wait3A_11 = tpu.memref_slice %arg3[%mul3A_0] : memref<128xi32, #tpu.memory_space<hbm>> -> memref<8xi32, #tpu.memory_space<hbm>>
    tpu.wait_dma2 semaphore(%arg15 : memref<!tpu.dma_semaphore, #tpu.memory_space<semaphore_mem>>) src(%dma_wait3A_11 : memref<8xi32, #tpu.memory_space<hbm>>) dst(%arg9 : memref<8xi32, #tpu.memory_space<vmem>>)
    %dma_start3A_12 = arith.constant 0 : i32
    %dma_start3A_13 = arith.constant 0 : i32
    %dma_start3A_14 = tpu.memref_slice %arg6[%dma_start3A_12, %dma_start3A_13] : memref<1000000x128xf32, #tpu.memory_space<hbm>> -> memref<1000000x128xf32, #tpu.memory_space<hbm>>
    tpu.enqueue_indirect_dma source(%dma_start3A_14 : memref<1000000x128xf32, #tpu.memory_space<hbm>>) target(%arg12 : memref<8x128xf32, #tpu.memory_space<vmem>>) offsets(%arg9 : memref<8xi32, #tpu.memory_space<vmem>>) semaphore(%arg18 : memref<!tpu.dma_semaphore, #tpu.memory_space<semaphore_mem>>)
    %dma_wait3A_15 = tpu.memref_slice %arg4[%mul3A_0] : memref<128xi32, #tpu.memory_space<hbm>> -> memref<8xi32, #tpu.memory_space<hbm>>
    %dma_wait3A_16 = tpu.memref_slice %arg4[%mul3A_0] : memref<128xi32, #tpu.memory_space<hbm>> -> memref<8xi32, #tpu.memory_space<hbm>>
    tpu.wait_dma2 semaphore(%arg16 : memref<!tpu.dma_semaphore, #tpu.memory_space<semaphore_mem>>) src(%dma_wait3A_16 : memref<8xi32, #tpu.memory_space<hbm>>) dst(%arg10 : memref<8xi32, #tpu.memory_space<vmem>>)
    %dma_start3A_17 = arith.constant 0 : i32
    %dma_start3A_18 = arith.constant 0 : i32
    %dma_start3A_19 = tpu.memref_slice %arg6[%dma_start3A_17, %dma_start3A_18] : memref<1000000x128xf32, #tpu.memory_space<hbm>> -> memref<1000000x128xf32, #tpu.memory_space<hbm>>
    tpu.enqueue_indirect_dma source(%dma_start3A_19 : memref<1000000x128xf32, #tpu.memory_space<hbm>>) target(%arg13 : memref<8x128xf32, #tpu.memory_space<vmem>>) offsets(%arg10 : memref<8xi32, #tpu.memory_space<vmem>>) semaphore(%arg19 : memref<!tpu.dma_semaphore, #tpu.memory_space<semaphore_mem>>)
    %add3A = arith.constant 128 : i32
    %add3A_20 = arith.addi %add3A, %mul3A_0 : i32
    %add3A_21 = arith.constant 256 : i32
    %add3A_22 = arith.addi %add3A_21, %mul3A_0 : i32
    %dma_wait3A_23 = arith.constant 0 : i32
    %dma_wait3A_24 = arith.constant 0 : i32
    %dma_wait3A_25 = tpu.memref_slice %arg5[%dma_wait3A_23, %dma_wait3A_24] : memref<1000000x128xf32, #tpu.memory_space<hbm>> -> memref<1000000x128xf32, #tpu.memory_space<hbm>>
    tpu.wait_indirect_dma semaphore(%arg17 : memref<!tpu.dma_semaphore, #tpu.memory_space<semaphore_mem>>) src(%dma_wait3A_25 : memref<1000000x128xf32, #tpu.memory_space<hbm>>) dst(%arg11 : memref<8x128xf32, #tpu.memory_space<vmem>>)
    %dma_start3A_26 = arith.constant 0 : i32
    %dma_start3A_27 = tpu.memref_slice %arg7[%mul3A_0, %dma_start3A_26] : memref<384x128xf32, #tpu.memory_space<hbm>> -> memref<8x128xf32, #tpu.memory_space<hbm>>
    %dma_start3A_28 = arith.constant 0 : i32
    %dma_start3A_29 = tpu.memref_slice %arg7[%mul3A_0, %dma_start3A_28] : memref<384x128xf32, #tpu.memory_space<hbm>> -> memref<8x128xf32, #tpu.memory_space<hbm>>
    tpu.enqueue_dma source(%arg11 : memref<8x128xf32, #tpu.memory_space<vmem>>) target(%dma_start3A_29 : memref<8x128xf32, #tpu.memory_space<hbm>>) target_semaphore(%arg14 : memref<!tpu.dma_semaphore, #tpu.memory_space<semaphore_mem>>)
    %dma_wait3A_30 = arith.constant 0 : i32
    %dma_wait3A_31 = arith.constant 0 : i32
    %dma_wait3A_32 = tpu.memref_slice %arg6[%dma_wait3A_30, %dma_wait3A_31] : memref<1000000x128xf32, #tpu.memory_space<hbm>> -> memref<1000000x128xf32, #tpu.memory_space<hbm>>
    tpu.wait_indirect_dma semaphore(%arg18 : memref<!tpu.dma_semaphore, #tpu.memory_space<semaphore_mem>>) src(%dma_wait3A_32 : memref<1000000x128xf32, #tpu.memory_space<hbm>>) dst(%arg12 : memref<8x128xf32, #tpu.memory_space<vmem>>)
    %dma_start3A_33 = arith.constant 0 : i32
    %dma_start3A_34 = tpu.memref_slice %arg7[%add3A_20, %dma_start3A_33] : memref<384x128xf32, #tpu.memory_space<hbm>> -> memref<8x128xf32, #tpu.memory_space<hbm>>
    %dma_start3A_35 = arith.constant 0 : i32
    %dma_start3A_36 = tpu.memref_slice %arg7[%add3A_20, %dma_start3A_35] : memref<384x128xf32, #tpu.memory_space<hbm>> -> memref<8x128xf32, #tpu.memory_space<hbm>>
    tpu.enqueue_dma source(%arg12 : memref<8x128xf32, #tpu.memory_space<vmem>>) target(%dma_start3A_36 : memref<8x128xf32, #tpu.memory_space<hbm>>) target_semaphore(%arg15 : memref<!tpu.dma_semaphore, #tpu.memory_space<semaphore_mem>>)
    %dma_wait3A_37 = arith.constant 0 : i32
    %dma_wait3A_38 = arith.constant 0 : i32
    %dma_wait3A_39 = tpu.memref_slice %arg6[%dma_wait3A_37, %dma_wait3A_38] : memref<1000000x128xf32, #tpu.memory_space<hbm>> -> memref<1000000x128xf32, #tpu.memory_space<hbm>>
    tpu.wait_indirect_dma semaphore(%arg19 : memref<!tpu.dma_semaphore, #tpu.memory_space<semaphore_mem>>) src(%dma_wait3A_39 : memref<1000000x128xf32, #tpu.memory_space<hbm>>) dst(%arg13 : memref<8x128xf32, #tpu.memory_space<vmem>>)
    %dma_start3A_40 = arith.constant 0 : i32
    %dma_start3A_41 = tpu.memref_slice %arg7[%add3A_22, %dma_start3A_40] : memref<384x128xf32, #tpu.memory_space<hbm>> -> memref<8x128xf32, #tpu.memory_space<hbm>>
    %dma_start3A_42 = arith.constant 0 : i32
    %dma_start3A_43 = tpu.memref_slice %arg7[%add3A_22, %dma_start3A_42] : memref<384x128xf32, #tpu.memory_space<hbm>> -> memref<8x128xf32, #tpu.memory_space<hbm>>
    tpu.enqueue_dma source(%arg13 : memref<8x128xf32, #tpu.memory_space<vmem>>) target(%dma_start3A_43 : memref<8x128xf32, #tpu.memory_space<hbm>>) target_semaphore(%arg16 : memref<!tpu.dma_semaphore, #tpu.memory_space<semaphore_mem>>)
    %dma_wait3A_44 = arith.constant 0 : i32
    %dma_wait3A_45 = tpu.memref_slice %arg7[%mul3A_0, %dma_wait3A_44] : memref<384x128xf32, #tpu.memory_space<hbm>> -> memref<8x128xf32, #tpu.memory_space<hbm>>
    %dma_wait3A_46 = arith.constant 0 : i32
    %dma_wait3A_47 = tpu.memref_slice %arg7[%mul3A_0, %dma_wait3A_46] : memref<384x128xf32, #tpu.memory_space<hbm>> -> memref<8x128xf32, #tpu.memory_space<hbm>>
    tpu.wait_dma2 semaphore(%arg14 : memref<!tpu.dma_semaphore, #tpu.memory_space<semaphore_mem>>) src(%arg11 : memref<8x128xf32, #tpu.memory_space<vmem>>) dst(%dma_wait3A_47 : memref<8x128xf32, #tpu.memory_space<hbm>>)
    %dma_wait3A_48 = arith.constant 0 : i32
    %dma_wait3A_49 = tpu.memref_slice %arg7[%add3A_20, %dma_wait3A_48] : memref<384x128xf32, #tpu.memory_space<hbm>> -> memref<8x128xf32, #tpu.memory_space<hbm>>
    %dma_wait3A_50 = arith.constant 0 : i32
    %dma_wait3A_51 = tpu.memref_slice %arg7[%add3A_20, %dma_wait3A_50] : memref<384x128xf32, #tpu.memory_space<hbm>> -> memref<8x128xf32, #tpu.memory_space<hbm>>
    tpu.wait_dma2 semaphore(%arg15 : memref<!tpu.dma_semaphore, #tpu.memory_space<semaphore_mem>>) src(%arg12 : memref<8x128xf32, #tpu.memory_space<vmem>>) dst(%dma_wait3A_51 : memref<8x128xf32, #tpu.memory_space<hbm>>)
    %dma_wait3A_52 = arith.constant 0 : i32
    %dma_wait3A_53 = tpu.memref_slice %arg7[%add3A_22, %dma_wait3A_52] : memref<384x128xf32, #tpu.memory_space<hbm>> -> memref<8x128xf32, #tpu.memory_space<hbm>>
    %dma_wait3A_54 = arith.constant 0 : i32
    %dma_wait3A_55 = tpu.memref_slice %arg7[%add3A_22, %dma_wait3A_54] : memref<384x128xf32, #tpu.memory_space<hbm>> -> memref<8x128xf32, #tpu.memory_space<hbm>>
    tpu.wait_dma2 semaphore(%arg16 : memref<!tpu.dma_semaphore, #tpu.memory_space<semaphore_mem>>) src(%arg13 : memref<8x128xf32, #tpu.memory_space<vmem>>) dst(%dma_wait3A_55 : memref<8x128xf32, #tpu.memory_space<hbm>>)
    return
  }
}

module attributes {stable_mosaic.version = 14 : i64} {
  func.func @_tc_loss_body(%arg0: memref<384x128xf32, #tpu.memory_space<vmem>>, %arg1: memref<f32, #tpu.memory_space<smem>>) attributes {dimension_semantics = [], scalar_prefetch = 0 : i64, scratch_operands = 0 : i64, tpu.core_type = #tpu.core_type<tc>} {
    %get3A = arith.constant 0 : index
    %get3A_0 = arith.constant 0 : index
    %get3A_1 = vector.load %arg0[%get3A, %get3A_0] : memref<384x128xf32, #tpu.memory_space<vmem>>, vector<128x128xf32>
    %get3A_2 = arith.constant 128 : index
    %get3A_3 = arith.constant 0 : index
    %get3A_4 = vector.load %arg0[%get3A_2, %get3A_3] : memref<384x128xf32, #tpu.memory_space<vmem>>, vector<128x128xf32>
    %get3A_5 = arith.constant 256 : index
    %get3A_6 = arith.constant 0 : index
    %get3A_7 = vector.load %arg0[%get3A_5, %get3A_6] : memref<384x128xf32, #tpu.memory_space<vmem>>, vector<128x128xf32>
    %transpose3A = tpu.transpose %get3A_1, [1, 0] : vector<128x128xf32> -> vector<128x128xf32>
    %mul3A = arith.mulf %transpose3A, %get3A_4 : vector<128x128xf32>
    %reduce_sum3A = vector.shape_cast %mul3A : vector<128x128xf32> to vector<1x128x128xf32>
    %reduce_sum3A_8 = arith.constant dense<0.000000e+00> : vector<1xf32>
    %reduce_sum3A_9 = vector.multi_reduction <add>, %reduce_sum3A, %reduce_sum3A_8 [1, 2] : vector<1x128x128xf32> to vector<1xf32>
    %reduce_sum3A_10 = vector.shape_cast %reduce_sum3A_9 : vector<1xf32> to vector<1x1x1xf32>
    %reduce_sum3A_11 = vector.extract %reduce_sum3A_10[0, 0, 0] : f32 from vector<1x1x1xf32>
    %mul3A_12 = arith.mulf %transpose3A, %get3A_7 : vector<128x128xf32>
    %reduce_sum3A_13 = vector.shape_cast %mul3A_12 : vector<128x128xf32> to vector<1x128x128xf32>
    %reduce_sum3A_14 = arith.constant dense<0.000000e+00> : vector<1xf32>
    %reduce_sum3A_15 = vector.multi_reduction <add>, %reduce_sum3A_13, %reduce_sum3A_14 [1, 2] : vector<1x128x128xf32> to vector<1xf32>
    %reduce_sum3A_16 = vector.shape_cast %reduce_sum3A_15 : vector<1xf32> to vector<1x1x1xf32>
    %reduce_sum3A_17 = vector.extract %reduce_sum3A_16[0, 0, 0] : f32 from vector<1x1x1xf32>
    %iota3A = tpu.iota {dimensions = array<i32: 0>} : vector<8x128xi32>
    %iota3A_18 = tpu.iota {dimensions = array<i32: 1>} : vector<8x128xi32>
    %eq3A = arith.constant 0 : i32
    %eq3A_19 = vector.broadcast %eq3A : i32 to vector<8x128xi32>
    %eq3A_20 = arith.cmpi eq, %iota3A, %eq3A_19 : vector<8x128xi32>
    %eq3A_21 = arith.constant 0 : i32
    %eq3A_22 = vector.broadcast %eq3A_21 : i32 to vector<8x128xi32>
    %eq3A_23 = arith.cmpi eq, %iota3A_18, %eq3A_22 : vector<8x128xi32>
    %and3A = arith.andi %eq3A_20, %eq3A_23 : vector<8x128xi1>
    %convert_element_type3A = arith.extui %and3A : vector<8x128xi1> to vector<8x128xi32>
    %convert_element_type3A_24 = arith.sitofp %convert_element_type3A : vector<8x128xi32> to vector<8x128xf32>
    %eq3A_25 = arith.constant 0 : i32
    %eq3A_26 = vector.broadcast %eq3A_25 : i32 to vector<8x128xi32>
    %eq3A_27 = arith.cmpi eq, %iota3A, %eq3A_26 : vector<8x128xi32>
    %eq3A_28 = arith.constant 1 : i32
    %eq3A_29 = vector.broadcast %eq3A_28 : i32 to vector<8x128xi32>
    %eq3A_30 = arith.cmpi eq, %iota3A_18, %eq3A_29 : vector<8x128xi32>
    %and3A_31 = arith.andi %eq3A_27, %eq3A_30 : vector<8x128xi1>
    %convert_element_type3A_32 = arith.extui %and3A_31 : vector<8x128xi1> to vector<8x128xi32>
    %convert_element_type3A_33 = arith.sitofp %convert_element_type3A_32 : vector<8x128xi32> to vector<8x128xf32>
    %mul3A_34 = vector.broadcast %reduce_sum3A_11 : f32 to vector<8x128xf32>
    %mul3A_35 = arith.mulf %mul3A_34, %convert_element_type3A_24 : vector<8x128xf32>
    %mul3A_36 = vector.broadcast %reduce_sum3A_17 : f32 to vector<8x128xf32>
    %mul3A_37 = arith.mulf %mul3A_36, %convert_element_type3A_33 : vector<8x128xf32>
    %sub3A = arith.subf %mul3A_35, %mul3A_37 : vector<8x128xf32>
    %min3A = arith.constant 0.000000e+00 : f32
    %min3A_38 = vector.broadcast %min3A : f32 to vector<8x128xf32>
    %min3A_39 = arith.minimumf %sub3A, %min3A_38 : vector<8x128xf32>
    %abs3A = math.absf %sub3A : vector<8x128xf32>
    %neg3A = arith.constant 0.000000e+00 : f32
    %neg3A_40 = vector.broadcast %neg3A : f32 to vector<8x128xf32>
    %neg3A_41 = arith.subf %neg3A_40, %abs3A : vector<8x128xf32>
    %exp3A = math.exp %neg3A_41 : vector<8x128xf32>
    %log1p3A = math.log1p %exp3A : vector<8x128xf32>
    %sub3A_42 = arith.subf %min3A_39, %log1p3A : vector<8x128xf32>
    %add3A = arith.addf %convert_element_type3A_24, %convert_element_type3A_33 : vector<8x128xf32>
    %mul3A_43 = arith.mulf %sub3A_42, %add3A : vector<8x128xf32>
    %reduce_sum3A_44 = vector.shape_cast %mul3A_43 : vector<8x128xf32> to vector<1x8x128xf32>
    %reduce_sum3A_45 = arith.constant dense<0.000000e+00> : vector<1xf32>
    %reduce_sum3A_46 = vector.multi_reduction <add>, %reduce_sum3A_44, %reduce_sum3A_45 [1, 2] : vector<1x8x128xf32> to vector<1xf32>
    %reduce_sum3A_47 = vector.shape_cast %reduce_sum3A_46 : vector<1xf32> to vector<1x1x1xf32>
    %reduce_sum3A_48 = vector.extract %reduce_sum3A_47[0, 0, 0] : f32 from vector<1x1x1xf32>
    %neg3A_49 = arith.constant 0.000000e+00 : f32
    %neg3A_50 = arith.subf %neg3A_49, %reduce_sum3A_48 : f32
    %swap3A = memref.load %arg1[] : memref<f32, #tpu.memory_space<smem>>
    memref.store %neg3A_50, %arg1[] : memref<f32, #tpu.memory_space<smem>>
    return
  }
}

</mosaic_0001>

<sc_bundles>
// kernel: kernel.4.cloned.1.call-start
scs
__scs_entry_jumppad:
0x0: {  	(pc) =	sbr.rel $0x88, $3  }
0x1: {  	(tag) =	ssettag $0x0;
	lr =	simm.s32 $0x1  }
0x2: {  	[smem:$0x3F9C] =	sst lr;
	_ =	strace $0xD0000000  }
0x3: {  	_ = 	snop  }
0x4: {  	_ = 	snop  }
0x5: {  	_ = 	snop  }
0x6: {  	_ = 	snop  }
0x7: {  	_ = 	snop  }
__scs_overlays_trampoline_lowered:
0x8: {  	[smem:$0x3FAB] =	sst s0  }
0x9: {  	[smem:$0x3FAC] =	sst s1  }
0xa: {  	[smem:$0x3FAD] =	sst s2  }
0xb: {  	[smem:$0x3FAE] =	sst s3  }
0xc: {  	[smem:$0x3FAF] =	sst s4  }
0xd: {  	[smem:$0x3FB0] =	sst s5  }
0xe: {  	[smem:$0x3FB1] =	sst s6  }
0xf: {  	[smem:$0x3FB2] =	sst s7  }
0x10: {  	[smem:$0x3FB3] =	sst s8  }
0x11: {  	[smem:$0x3FB4] =	sst s9;
	s0 =	simm.s32 @!p0 $0x0  }
0x12: {  	s1 =	sld [smem:$0x3F9A];
	s0 =	simm.s32 @p0 $0x1  }
0x13: {  	[smem:$0x3FB5] =	sst s0;
	s0 =	simm.s32 @!p1 $0x0  }
0x14: {  	s2 =	sld [smem:$0x3F99];
	s0 =	simm.s32 @p1 $0x1  }
0x15: {  	[smem:$0x3FB6] =	sst s0;
	s0 =	simm.s32 @!p2 $0x0  }
0x16: {  	s3 =	sld [smem:$0x3FDB];
	s0 =	simm.s32 @p2 $0x1  }
0x17: {  	s4 =	simm.s32 $0x1BF5;
	[smem:$0x3FB8] =	sst s0  }
0x18: {  	s0 =	sld [smem:$0x3F9B];
	_ =	swait.ge [sflag:s4], $0x0  }
0x19: {  	s7 =	sld [smem:$0x3F9C]  }
0x1a: {  	s8 =	sadd.s32 $0xFFFFE003, lr  }
0x1b: {  	s9 =	sadd.s32 $0xFFFFFEF7, lr;
	s5 =	simm.s32 $0xFFFFFFFF;
	p2 =	slt.u32 s8, $0xFFFFF086  }
0x1c: {  	p1 =	slt.u32 s9, $0xF7A;
	s5 =	simm.s32 @!p2 $0x0  }
0x1d: {  	s5 =	simm.s32 @p1 $0x1;
	p0 =	seq.s32 s7, s2  }
0x1e: {  	s7 =	smul.u32 @!p0 $0xF7A, s2;
	p2 =	seq.s32 @!p0 s5, $0x0  }
0x1f: {  	s9 =	smul.u32 $0xF7A, s1;
	s8 =	simm.s32 @!p0 $0x1BF5;
	p2 =	por !p2, p0  }
0x20: {  	[sflag:s8] =	ssyncset.s32 @!p0 $0xFFFFF086;
	s6 =	sadd.s32 @!p0 s3, s7;
	s7 =	simm.s32 @!p0 $0x108  }
0x21: {  	s3 =	sadd.s32 s3, s9;
	s6 =	sadd.s32 @!p0 $0x88, s6;
	s7 =	simm.s32 @p2 $0x1082  }
0x22: {  	[simem:s7], [sflag:s8] =	dma.local @!p0 [hbm:s6], $0xF7A  }
0x23: {  	s9 =	sor.u32 $0xD0000000, s2;
	s6 =	simm.s32 $0x108;
	_ =	swait.ge @!p0 [sflag:s8], $0x0  }
0x24: {  	s3 =	sadd.s32 $0x88, s3;
	s6 =	simm.s32 @!p1 $0x1082;
	[sflag:s4] =	ssyncset.s32 $0xFFFFF086  }
0x25: {  	[simem:s6], [sflag:s4] =	dma.local [hbm:s3], $0xF7A  }
0x26: {  	[smem:$0x3F9C] =	sst s1;
	(tag) =	ssettag s2;
	_ =	strace s9  }
0x27: {  	s1 =	sld [smem:$0x3FAC]  }
0x28: {  	s2 =	sld [smem:$0x3FAD]  }
0x29: {  	s4 =	sld [smem:$0x3FAF]  }
0x2a: {  	p0 =	seq.s32 s5, $0x0;
	s5 =	sld [smem:$0x3FB0]  }
0x2b: {  	s6 =	sld [smem:$0x3FB1]  }
0x2c: {  	s7 =	sld [smem:$0x3FB2]  }
0x2d: {  	s3 =	simm.s32 $0x108;
	s8 =	sld [smem:$0x3FB3]  }
0x2e: {  	s3 =	simm.s32 @!p0 $0x1082;
	s9 =	sld [smem:$0x3FB4]  }
0x2f: {  	lr =	sadd.s32 s0, s3;
	s0 =	sld [smem:$0x3FAB]  }
0x30: {  	s3 =	sld [smem:$0x3FAE]  }
0x31: {  	[smem:$0x3FB7] =	sst s10  }
0x32: {  	s10 =	sld [smem:$0x3FB5];
	_ =	sdelay $0x3  }
0x33: {  	p0 =	seq.s32 s10, $0x1;
	s10 =	sld [smem:$0x3FB7];
	_ =	sdelay $0x3  }
0x34: {  	[smem:$0x3FB7] =	sst s10  }
0x35: {  	s10 =	sld [smem:$0x3FB6];
	_ =	sdelay $0x3  }
0x36: {  	p1 =	seq.s32 s10, $0x1;
	s10 =	sld [smem:$0x3FB7];
	_ =	sdelay $0x3  }
0x37: {  	[smem:$0x3FB7] =	sst s10  }
0x38: {  	s10 =	sld [smem:$0x3FB8]  }
0x39: {  	_ = 	snop;
	(pc) =	sbr.ind lr, $3  }
0x3a: {  	_ = 	snop  }
0x3b: {  	_ = 	snop  }
0x3c: {  	p2 =	seq.s32 s10, $0x1;
	s10 =	sld [smem:$0x3FB7]  }
0x3d: {  	_ =	shalt  }
0x3e: {  	_ =	shalt  }
0x3f: {  	_ =	shalt  }
0x40: {  	_ =	shalt  }
0x41: {  	_ =	shalt  }
0x42: {  	_ =	shalt  }
0x43: {  	_ =	shalt  }
0x44: {  	_ =	shalt  }
0x45: {  	_ =	shalt  }
0x46: {  	_ =	shalt  }
0x47: {  	_ =	shalt  }
0x48: {  	_ =	shalt  }
0x49: {  	_ =	shalt  }
0x4a: {  	_ =	shalt  }
0x4b: {  	_ =	shalt  }
0x4c: {  	_ =	shalt  }
0x4d: {  	_ =	shalt  }
0x4e: {  	_ =	shalt  }
0x4f: {  	_ =	shalt  }
0x50: {  	_ =	shalt  }
0x51: {  	_ =	shalt  }
0x52: {  	_ =	shalt  }
0x53: {  	_ =	shalt  }
0x54: {  	_ =	shalt  }
0x55: {  	_ =	shalt  }
0x56: {  	_ =	shalt  }
0x57: {  	_ =	shalt  }
0x58: {  	_ =	shalt  }
0x59: {  	_ =	shalt  }
0x5a: {  	_ =	shalt  }
0x5b: {  	_ =	shalt  }
0x5c: {  	_ =	shalt  }
0x5d: {  	_ =	shalt  }
0x5e: {  	_ =	shalt  }
0x5f: {  	_ =	shalt  }
0x60: {  	_ =	shalt  }
0x61: {  	_ =	shalt  }
0x62: {  	_ =	shalt  }
0x63: {  	_ =	shalt  }
0x64: {  	_ =	shalt  }
0x65: {  	_ =	shalt  }
0x66: {  	_ =	shalt  }
0x67: {  	_ =	shalt  }
0x68: {  	_ =	shalt  }
0x69: {  	_ =	shalt  }
0x6a: {  	_ =	shalt  }
0x6b: {  	_ =	shalt  }
0x6c: {  	_ =	shalt  }
0x6d: {  	_ =	shalt  }
0x6e: {  	_ =	shalt  }
0x6f: {  	_ =	shalt  }
0x70: {  	_ =	shalt  }
0x71: {  	_ =	shalt  }
0x72: {  	_ =	shalt  }
0x73: {  	_ =	shalt  }
0x74: {  	_ =	shalt  }
0x75: {  	_ =	shalt  }
0x76: {  	_ =	shalt  }
0x77: {  	_ =	shalt  }
0x78: {  	_ =	shalt  }
0x79: {  	_ =	shalt  }
0x7a: {  	_ =	shalt  }
0x7b: {  	_ =	shalt  }
0x7c: {  	_ =	shalt  }
0x7d: {  	_ =	shalt  }
0x7e: {  	_ =	shalt  }
0x7f: {  	_ =	shalt  }
0x80: {  	_ =	shalt  }
0x81: {  	_ =	shalt  }
0x82: {  	_ =	shalt  }
0x83: {  	_ =	shalt  }
0x84: {  	_ =	shalt  }
0x85: {  	_ =	shalt  }
0x86: {  	_ =	shalt  }
0x87: {  	_ =	shalt  }
.Lfunc_end0:
.L_simem_size_0:
called_computation_lowered:
.L_overlay_start_0:
0x88: {  	s0 =	sld [smem:$0x3FD9]  }
0x89: {  	s1 =	sld [smem:$0x3FFE];
	_ =	sdelay $0x3  }
0x8a: {  	s0 =	sadd.s32 s1, s0  }
0x8b: {  	[smem:$0x3FC3] =	sst s0  }
0x8c: {  	_ = 	snop  }
0x8d: {  	s0 =	sld [smem:$0x3FC9]  }
0x8e: {  	s16 =	sld [smem:$0x3FC8]  }
0x8f: {  	s2 =	sld [smem:$0x3FC7]  }
0x90: {  	s3 =	sld [smem:$0x3FC6]  }
0x91: {  	s4 =	sld [smem:$0x3FC5];
	(tm) =	ssettm $0x1  }
0x92: {  	s5 =	sld [smem:$0x3FFB];
	_ =	sdelay $0x3  }
0x93: {  	_ =	strace s5  }
0x94: {  	s5 =	sld [smem:$0x3FFC];
	_ =	sdelay $0x3  }
0x95: {  	_ =	strace s5  }
0x96: {  	s5 =	sld [smem:$0x3FFD];
	_ =	sdelay $0x3  }
0x97: {  	_ =	strace s5  }
0x98: {  	_ =	strace $0x8FFFFFFF  }
0x99: {  	s17 =	sld [smem:$0x3FDB];
	_ =	sdelay $0x1  }
0x9a: {  	s6 =	simm.s32 $_scs_section_size  }
0x9b: {  	s7 =	simm.s32 $_size__tile_overlayer_lowered;
	s8 =	simm.s32 $_tile_overlayer_lowered  }
0x9c: {  	s20 =	simm.s32 $0x1BFF;
	s19 =	sshll.u32 s8, $0x1;
	s5 =	sadd.s32 s6, s17  }
0x9d: {  	s9 =	simm.s32 $0x0;
	s18 =	sshll.u32 s7, $0x1;
	s7 =	sadd.s32 s19, s5  }
0x9e: {  	[timem:s9], [sflag:s20] =	dma.local [hbm:s7], s18  }
0x9f: {  	_ =	swait.ge [sflag:s20], s18  }
0xa0: {  	s6 =	ssub.s32 $0x0, s18;
	[sflag:s20] =	ssyncset.done $0x0  }
0xa1: {  	[sflag:s20] =	ssyncadd.s32 s6;
	_ =	sdelay $0x1  }
0xa2: {  	s21 =	simm.s32 $0x1B8B  }
0xa3: {  	_ =	swait.ge [sflag:s21], $0x1  }
0xa4: {  	[sflag:s21] =	ssyncset.done $0x0  }
0xa5: {  	s23 =	simm.s32 $0x1B8E;
	s22 =	sld [smem:$0x3FFE];
	[sflag:s21] =	ssyncadd.s32 $0xFFFFFFFF  }
0xa6: {  	s24 =	simm.s32 $execute0_lowered;
	[smem:$0x3FD2] =	sst s23  }
0xa7: {  	s7 =	sshll.u32 s24, $0x1;
	_ =	strace $0x80000046;
	[dreg:$0x1] =	wrdreg $0xFFFFFFFF  }
0xa8: {  	s25 =	simm.s32 $_size_execute0_lowered;
	s5 =	sadd.s32 s5, s7;
	[dreg:$0x0] =	wrdreg $0x0  }
0xa9: {  	s7 =	sshll.u32 s25, $0x1;
	[dreg:$0x2] =	wrdreg s5  }
0xaa: {  	[dreg:$0x3] =	wrdreg s7  }
0xab: {  	[dreg:$0x4] =	wrdreg $0xC0  }
0xac: {  	_ =	task [dreg:s9], $0x5FFFF  }
0xad: {  	[dreg:$0x1] =	wrdreg $0xFFFFFFFF  }
0xae: {  	[dreg:$0x0] =	wrdreg $0x60  }
0xaf: {  	[dreg:$0x2] =	wrdreg s0  }
0xb0: {  	[dreg:$0x3] =	wrdreg s16  }
0xb1: {  	[dreg:$0x4] =	wrdreg s2  }
0xb2: {  	[dreg:$0x5] =	wrdreg s3  }
0xb3: {  	[dreg:$0x6] =	wrdreg s4  }
0xb4: {  	[dreg:$0x7] =	wrdreg s22  }
0xb5: {  	[dreg:$0x8] =	wrdreg $0x9  }
0xb6: {  	_ =	task.clear_ibuf [dreg:s9], $0x9FFFF;
	_ =	strace $0x90000046  }
0xb7: {  	s26 =	simm.s32 $0x9;
	_ =	strace $0x80000048  }
0xb8: {  	_ =	swait.ge [sflag:s26], $0x1  }
0xb9: {  	[sflag:s26] =	ssyncadd.s32 $0xFFFFFFFF  }
0xba: {  	_ =	strace $0x90000048  }
0xbb: {  	_ =	sfence  }
0xbc: {  	s28 =	sld [smem:$0x0];
	_ =	sdelay $0x1  }
0xbd: {  	s29 =	srdreg.scid  }
0xbe: {  	s30 =	sshll.u32 s29, $0xD;
	s31 =	sshrl.u32 s29, $0x2  }
0xbf: {  	s1 =	sand.u32 $0x1, s29;
	s2 =	sand.u32 $0x4000, s30;
	s0 =	sadd.s32 s31, s28  }
0xc0: {  	s1 =	sor.u32 s2, s1;
	s0 =	sshll.u32 s0, $0x11  }
0xc1: {  	s0 =	sor.u32 s0, s1  }
0xc2: {  	s0 =	sadd.s32 $0x8F2B, s0  }
0xc3: {  	[sflag:s0] =	ssyncadd.remote.s32 $0x1  }
0xc4: {  	_ =	sfence.sel $0xFFFF  }
0xc5: {  	[dreg:$0x0] =	wrdreg $0xFFFFFFFF;
	(pc) =	sbr.abs _section_cstart, $3  }
0xc6: {  	[dreg:$0x1] =	wrdreg $0xFFFFFFFF  }
0xc7: {  	_ =	task.clear_ibuf [dreg:s9], $0x2FFFF;
	_ =	strace $0x9FFFFFFF  }
0xc8: {  	(tm) =	ssettm $0x7FFFFFFF  }
0xc9: {  	_ =	shalt  }
tec
execute0_lowered:
.L_overlay_start_1:
0x0: {  	(tag) =	ssettag $0x1  }
0x1: {  	s1 =	rddreg [dreg:$0x0]  }
0x2: {  	s2 =	rddreg [dreg:$0x1]  }
0x3: {  	s3 =	rddreg [dreg:$0x2]  }
0x4: {  	s4 =	rddreg [dreg:$0x3]  }
0x5: {  	s5 =	rddreg [dreg:$0x4]  }
0x6: {  	s6 =	rddreg [dreg:$0x5];
	s7 =	simm.s32 $0x0  }
0x7: {  	s8 =	stileid.u32;
	[smem:$0x7FF] =	sst s7  }
0x8: {  	s0 =	rddreg [dreg:$0x6];
	s1 =	sadd.s32 s1, s8;
	_ =	strace $0x80000047  }
0x9: {  	[tilespmem:s7], [sflag:$0x1] =	stream.linear.gather [hbm4b:s1+s7], $0x8, $0x38;
	[tilespmem:$0xD80] =	vst v63  }
0xa: {  	s20 =	simm.s32 $0x80;
	s19 =	sadd.s32 s2, s8  }
0xb: {  	[tilespmem:s20], [sflag:$0x2] =	stream.linear.gather [hbm4b:s19+s7], $0x8, $0x38;
	[tilespmem:$0xD80] =	vst v63  }
0xc: {  	s22 =	simm.s32 $0x100;
	s23 =	simm.s32 $0x1;
	s21 =	sadd.s32 s3, s8  }
0xd: {  	[tilespmem:s22], [sflag:$0x3] =	stream.linear.gather [hbm4b:s21+s7], $0x8, $0x38;
	[tilespmem:$0xD80] =	vst v63  }
0xe: {  	_ =	swait.ge [sflag:s23], $0x8  }
0xf: {  	s9 =	simm.s32 $0x8;
	[sflag:s23] =	ssyncset.done $0x0  }
0x10: {  	s10 =	simm.s32 $0x180;
	s24 =	simm.s32 $0x2;
	[sflag:s23] =	ssyncadd.s32 $0xFFFFFFF8  }
0x11: {  	[tilespmem:s10], [sflag:$0x4] =	stream.indirect.gather [hbm4b:s4+s9], $0x80, s7, s9, $0xb8;
	[tilespmem:$0xD80] =	vst v63  }
0x12: {  	_ =	swait.ge [sflag:s24], $0x8  }
0x13: {  	[sflag:s24] =	ssyncset.done $0x0  }
0x14: {  	s11 =	simm.s32 $0x580;
	s25 =	simm.s32 $0x3;
	[sflag:s24] =	ssyncadd.s32 $0xFFFFFFF8  }
0x15: {  	[tilespmem:s11], [sflag:$0x5] =	stream.indirect.gather [hbm4b:s5+s9], $0x80, s20, s9, $0xb8;
	[tilespmem:$0xD80] =	vst v63  }
0x16: {  	_ =	swait.ge [sflag:s25], $0x8  }
0x17: {  	[sflag:s25] =	ssyncset.done $0x0  }
0x18: {  	s12 =	simm.s32 $0x980;
	s26 =	simm.s32 $0x4;
	[sflag:s25] =	ssyncadd.s32 $0xFFFFFFF8  }
0x19: {  	[tilespmem:s12], [sflag:$0x6] =	stream.indirect.gather [hbm4b:s5+s9], $0x80, s22, s9, $0xb8;
	[tilespmem:$0xD80] =	vst v63  }
0x1a: {  	s28 =	sshll.u32 s8, $0x7;
	_ =	swait.ge [sflag:s26], $0x400  }
0x1b: {  	s5 =	sadd.s32 s28, s6;
	[sflag:s26] =	ssyncset.done $0x0  }
0x1c: {  	s29 =	simm.s32 $0x5;
	s6 =	sadd.s32 $0x600, s5;
	[sflag:s26] =	ssyncadd.s32 $0xFFFFFC00  }
0x1d: {  	[hbm4b:s6+s7] =	stream.linear.scatter [tilespmem:s10], [sflag:$0x1], $0x400, $0x38;
	[tilespmem:$0xD80] =	vst v63  }
0x1e: {  	_ =	swait.ge [sflag:s29], $0x400  }
0x1f: {  	[sflag:s29] =	ssyncset.done $0x0  }
0x20: {  	s31 =	simm.s32 $0x6;
	s30 =	sadd.s32 $0xE00, s5;
	[sflag:s29] =	ssyncadd.s32 $0xFFFFFC00  }
0x21: {  	[hbm4b:s30+s7] =	stream.linear.scatter [tilespmem:s11], [sflag:$0x2], $0x400, $0x38;
	[tilespmem:$0xD80] =	vst v63  }
0x22: {  	_ =	swait.ge [sflag:s31], $0x400  }
0x23: {  	[sflag:s31] =	ssyncset.done $0x0  }
0x24: {  	s5 =	sadd.s32 $0x1600, s5;
	[sflag:s31] =	ssyncadd.s32 $0xFFFFFC00  }
0x25: {  	[hbm4b:s5+s7] =	stream.linear.scatter [tilespmem:s12], [sflag:$0x3], $0x400, $0x38;
	[tilespmem:$0xD80] =	vst v63  }
0x26: {  	_ =	swait.ge [sflag:s23], $0x400  }
0x27: {  	[sflag:s23] =	ssyncset.done $0x0  }
0x28: {  	[sflag:s23] =	ssyncadd.s32 $0xFFFFFC00  }
0x29: {  	_ =	swait.ge [sflag:s24], $0x400  }
0x2a: {  	[sflag:s24] =	ssyncset.done $0x0  }
0x2b: {  	[sflag:s24] =	ssyncadd.s32 $0xFFFFFC00  }
0x2c: {  	_ =	swait.ge [sflag:s25], $0x400  }
0x2d: {  	[sflag:s25] =	ssyncset.done $0x0  }
0x2e: {  	[sflag:s25] =	ssyncadd.s32 $0xFFFFFC00  }
0x2f: {  	_ =	sfence.sel $0x180000  }
0x30: {  	[bflag:$0x0] =	sbarrier.arrive $0xFFFF  }
0x31: {  	p0 =	sne.s32 s8, $0x0;
	_ =	strace $0x90000047  }
0x32: {  	s0 =	sadd.s32 @!p0 $0x100000, s0;
	[bflag:$0x2] =	sbarrier.arrive $0xFFFF  }
0x33: {  	[sflag:s0] =	ssyncadd.tile.s32 @!p0 $0x1;
	_ =	shalt  }
.Lfunc_end2:
_tile_overlayer_lowered:
.L_overlay_start_2:
0x34: {  	(tag) =	ssettag $0x2  }
0x35: {  	s0 =	rddreg [dreg:$0x0];
	s2 =	stileid.u32  }
0x36: {  	s1 =	rddreg [dreg:$0x1];
	p0 =	sne.s32 s2, $0x0  }
0x37: {  	s3 =	rddreg [dreg:$0x2];
	[bflag:$0x3] =	sbarrier.arrive $0xFFFF;
	s2 =	simm.s32 @!p0 $0x1C07  }
0x38: {  	[timem:s3], [sflag:s2] =	dma.local @!p0 [hbm:s0], s1  }
0x39: {  	s0 =	simm.s32 @!p0 $0x7  }
0x3a: {  	_ =	swait.ge @!p0 [sflag:s0], s1  }
0x3b: {  	s1 =	ssub.s32 @!p0 $0x0, s1;
	[sflag:s0] =	ssyncset.done @!p0 $0x0  }
0x3c: {  	[sflag:s0] =	ssyncadd.s32 @!p0 s1  }
0x3d: {  	[bflag:$0x3] =	sbarrier.arrive $0xFFFF  }
0x3e: {  	_ =	shalt  }

</sc_bundles>
